<compile_context>
chip_gen: v7x
topology: tpu7x:2x2x1
jax: 0.10.2.dev20260603
libtpu: 0.0.44.dev20260713+nightly
codegen_flags: <defaults>
</compile_context>

<pallas_src>
import jax
import jax.numpy as jnp
from jax.experimental import pallas as pl
from jax.experimental.pallas import tpu as pltpu

N = 8192
M = 2048
STEPS = 16
ROWS = N // STEPS
NW = N // 4
MW = M // 4
SC = N // STEPS
CC = M // STEPS


def _pack_kernel(seq_in, ctx_in, rowrep_ref, cps_ref, cpc_ref,
                 seq_out, ctx_out, sa_ref, xa_ref, seq_sem, ctx_sem):
    i = pl.program_id(0)
    seq_cp = pltpu.make_async_copy(
        seq_in.at[:, pl.ds(i * SC, SC), :],
        seq_out.at[:, pl.ds(i * SC, SC), :], seq_sem)
    ctx_cp = pltpu.make_async_copy(
        ctx_in.at[:, pl.ds(i * CC, CC), :],
        ctx_out.at[:, pl.ds(i * CC, CC), :], ctx_sem)
    seq_cp.start()
    ctx_cp.start()

    rr = rowrep_ref[...]
    k80 = jnp.uint32(0x80808080)
    k01 = jnp.uint32(0x01010101)
    xs = rr ^ cps_ref[...]
    sa_ref[...] = ((k80 - xs) >> 7) & k01
    xc = rr ^ cpc_ref[...]
    xa_ref[...] = ((k80 - xc) >> 7) & k01

    seq_cp.wait()
    ctx_cp.wait()


def kernel(seq_flat, ctx_flat, seq_ids, ctx_ids):
    rowrep = (seq_ids.astype(jnp.uint32) * jnp.uint32(0x01010101)).reshape(N, 1)
    colpack_s = jax.lax.bitcast_convert_type(
        seq_ids.astype(jnp.uint8).reshape(1, NW, 4), jnp.uint32)
    colpack_c = jax.lax.bitcast_convert_type(
        ctx_ids.astype(jnp.uint8).reshape(1, MW, 4), jnp.uint32)

    seq_p, ctx_p, sa_w, xa_w = pl.pallas_call(
        _pack_kernel,
        grid=(STEPS,),
        in_specs=[
            pl.BlockSpec(memory_space=pltpu.MemorySpace.HBM),
            pl.BlockSpec(memory_space=pltpu.MemorySpace.HBM),
            pl.BlockSpec((ROWS, 1), lambda i: (i, 0)),
            pl.BlockSpec((1, NW), lambda i: (0, 0)),
            pl.BlockSpec((1, MW), lambda i: (0, 0)),
        ],
        out_specs=[
            pl.BlockSpec(memory_space=pltpu.MemorySpace.HBM),
            pl.BlockSpec(memory_space=pltpu.MemorySpace.HBM),
            pl.BlockSpec((ROWS, NW), lambda i: (i, 0)),
            pl.BlockSpec((ROWS, MW), lambda i: (i, 0)),
        ],
        out_shape=[
            jax.ShapeDtypeStruct(seq_flat.shape, seq_flat.dtype),
            jax.ShapeDtypeStruct(ctx_flat.shape, ctx_flat.dtype),
            jax.ShapeDtypeStruct((N, NW), jnp.uint32),
            jax.ShapeDtypeStruct((N, MW), jnp.uint32),
        ],
        scratch_shapes=[
            pltpu.SemaphoreType.DMA,
            pltpu.SemaphoreType.DMA,
        ],
        compiler_params=pltpu.CompilerParams(
            dimension_semantics=("arbitrary",),
        ),
    )(seq_flat, ctx_flat, rowrep, colpack_s, colpack_c)

    shifts = (jnp.arange(4, dtype=jnp.uint32) * 8).reshape(1, 1, 4)
    sa_mask = ((sa_w[:, :, None] >> shifts) & 1).astype(jnp.bool_).reshape(N, N)
    xa_mask = ((xa_w[:, :, None] >> shifts) & 1).astype(jnp.bool_).reshape(N, M)
    return seq_p, ctx_p, sa_mask, xa_mask

# --- scband reference (transcript-rebuilt; emitter-appended) ---
"""Pipeline reference for scband-block-wise-sequence-packer-with-cross-attention-62689342652777 (READ-ONLY COPY).

The authoritative reference and input builder live on the scoring server;
editing this copy changes nothing except your own understanding.
"""

import jax, jax.numpy as jnp
import numpy as np


def _next_mult(n, m):
    return m * ((n + m - 1) // m)


def setup_inputs(seed: int = 0) -> dict:
    key = jax.random.key(seed)
    k1, k2, k3, k4 = jax.random.split(key, 4)
    seq_flat = jax.random.normal(k1, (1, 8192, 1024), dtype=jnp.float32)
    ctx_flat = jax.random.normal(k2, (1, 2048, 1024), dtype=jnp.float32)
    # sorted segment ids emulate einops.pack of 8 variable-length subsequences
    seq_ids = jnp.sort(jax.random.randint(k3, (8192,), 0, 8)).astype(jnp.int32)
    ctx_ids = jnp.sort(jax.random.randint(k4, (2048,), 0, 8)).astype(jnp.int32)
    return {"seq_flat": seq_flat, "ctx_flat": ctx_flat, "seq_ids": seq_ids, "ctx_ids": ctx_ids}


def reference(seq_flat, ctx_flat, seq_ids, ctx_ids):
    PAD = -1
    mult = 128
    N = seq_flat.shape[1]
    M = ctx_flat.shape[1]
    Np = _next_mult(N, mult)
    Mp = _next_mult(M, mult)
    # pack + pad_to_multiple (pad_to_multiple=128, pad_context_to_multiple=128)
    seq_p = jnp.pad(seq_flat, ((0, 0), (0, Np - N), (0, 0)))
    ctx_p = jnp.pad(ctx_flat, ((0, 0), (0, Mp - M), (0, 0)))
    sid = jnp.pad(seq_ids, (0, Np - N), constant_values=PAD)
    cid = jnp.pad(ctx_ids, (0, Mp - M), constant_values=PAD)
    # generate_packed_seq_mask (sa_mask_mode='full'):
    #   not_padded = (seq_ids[q] != pad) | (seq_ids[kv] != pad); same_seq = ids equal
    not_padded_sa = (sid[:, None] != PAD) | (sid[None, :] != PAD)
    sa_mask = (sid[:, None] == sid[None, :]) & not_padded_sa
    # generate_packed_xattn_mask (xa_mask_mode='full')
    not_padded_xa = (sid[:, None] != PAD) | (cid[None, :] != PAD)
    xa_mask = (sid[:, None] == cid[None, :]) & not_padded_xa
    return seq_p, ctx_p, sa_mask, xa_mask

if __name__ == "__main__":
    import jax
    _d = setup_inputs()
    print(jax.jit(kernel)(*tuple(_d.values())))

</pallas_src>

<mosaic_0001>
module attributes {stable_mosaic.version = 14 : i64} {
  func.func @_pack_kernel(%arg0: i32, %arg1: memref<1x8192x1024xf32, #tpu.memory_space<hbm>>, %arg2: memref<1x2048x1024xf32, #tpu.memory_space<hbm>>, %arg3: memref<512x1xi32, #tpu.memory_space<vmem>>, %arg4: memref<1x2048xi32, #tpu.memory_space<vmem>>, %arg5: memref<1x512xi32, #tpu.memory_space<vmem>>, %arg6: memref<1x8192x1024xf32, #tpu.memory_space<hbm>>, %arg7: memref<1x2048x1024xf32, #tpu.memory_space<hbm>>, %arg8: memref<512x2048xi32, #tpu.memory_space<vmem>>, %arg9: memref<512x512xi32, #tpu.memory_space<vmem>>, %arg10: memref<!tpu.dma_semaphore, #tpu.memory_space<semaphore_mem>>, %arg11: memref<!tpu.dma_semaphore, #tpu.memory_space<semaphore_mem>>) attributes {dimension_semantics = [#tpu.dimension_semantics<arbitrary>], iteration_bounds = array<i64: 16>, scalar_prefetch = 0 : i64, scratch_operands = 2 : i64, tpu.core_type = #tpu.core_type<tc>, window_params = [{}, {}, {transform_indices = @transform_2, window_bounds = array<i64: 512, 1>}, {pipeline_mode = #tpu.pipeline_mode<synchronous>, transform_indices = @transform_3, window_bounds = array<i64: 1, 2048>}, {pipeline_mode = #tpu.pipeline_mode<synchronous>, transform_indices = @transform_4, window_bounds = array<i64: 1, 512>}, {}, {}, {transform_indices = @transform_7, window_bounds = array<i64: 512, 2048>}, {transform_indices = @transform_8, window_bounds = array<i64: 512, 512>}]} {
    %mul3A = arith.constant 512 : i32
    %mul3A_0 = arith.muli %arg0, %mul3A : i32
    %mul3A_1 = arith.constant 512 : i32
    %mul3A_2 = arith.muli %arg0, %mul3A_1 : i32
    %mul3A_3 = arith.constant 128 : i32
    %mul3A_4 = arith.muli %arg0, %mul3A_3 : i32
    %mul3A_5 = arith.constant 128 : i32
    %mul3A_6 = arith.muli %arg0, %mul3A_5 : i32
    %dma_start3A = arith.constant 0 : i32
    %dma_start3A_7 = arith.constant 0 : i32
    %dma_start3A_8 = tpu.memref_slice %arg6[%dma_start3A, %mul3A_2, %dma_start3A_7] : memref<1x8192x1024xf32, #tpu.memory_space<hbm>> -> memref<1x512x1024xf32, #tpu.memory_space<hbm>>
    %dma_start3A_9 = arith.constant 0 : i32
    %dma_start3A_10 = arith.constant 0 : i32
    %dma_start3A_11 = tpu.memref_slice %arg1[%dma_start3A_9, %mul3A_0, %dma_start3A_10] : memref<1x8192x1024xf32, #tpu.memory_space<hbm>> -> memref<1x512x1024xf32, #tpu.memory_space<hbm>>
    tpu.enqueue_dma source(%dma_start3A_11 : memref<1x512x1024xf32, #tpu.memory_space<hbm>>) target(%dma_start3A_8 : memref<1x512x1024xf32, #tpu.memory_space<hbm>>) target_semaphore(%arg10 : memref<!tpu.dma_semaphore, #tpu.memory_space<semaphore_mem>>)
    %dma_start3A_12 = arith.constant 0 : i32
    %dma_start3A_13 = arith.constant 0 : i32
    %dma_start3A_14 = tpu.memref_slice %arg7[%dma_start3A_12, %mul3A_6, %dma_start3A_13] : memref<1x2048x1024xf32, #tpu.memory_space<hbm>> -> memref<1x128x1024xf32, #tpu.memory_space<hbm>>
    %dma_start3A_15 = arith.constant 0 : i32
    %dma_start3A_16 = arith.constant 0 : i32
    %dma_start3A_17 = tpu.memref_slice %arg2[%dma_start3A_15, %mul3A_4, %dma_start3A_16] : memref<1x2048x1024xf32, #tpu.memory_space<hbm>> -> memref<1x128x1024xf32, #tpu.memory_space<hbm>>
    tpu.enqueue_dma source(%dma_start3A_17 : memref<1x128x1024xf32, #tpu.memory_space<hbm>>) target(%dma_start3A_14 : memref<1x128x1024xf32, #tpu.memory_space<hbm>>) target_semaphore(%arg11 : memref<!tpu.dma_semaphore, #tpu.memory_space<semaphore_mem>>)
    %get3A = arith.constant 0 : index
    %get3A_18 = arith.constant 0 : index
    %get3A_19 = vector.load %arg3[%get3A, %get3A_18] : memref<512x1xi32, #tpu.memory_space<vmem>>, vector<512x1xi32>
    %get3A_20 = arith.constant 0 : index
    %get3A_21 = arith.constant 0 : index
    %get3A_22 = vector.load %arg4[%get3A_20, %get3A_21] : memref<1x2048xi32, #tpu.memory_space<vmem>>, vector<1x2048xi32>
    %xor3A = vector.broadcast %get3A_19 : vector<512x1xi32> to vector<512x2048xi32>
    %xor3A_23 = vector.broadcast %get3A_22 : vector<1x2048xi32> to vector<512x2048xi32>
    %xor3A_24 = arith.xori %xor3A, %xor3A_23 : vector<512x2048xi32>
    %sub3A = arith.constant -2139062144 : i32
    %sub3A_25 = vector.broadcast %sub3A : i32 to vector<512x2048xi32>
    %sub3A_26 = arith.subi %sub3A_25, %xor3A_24 : vector<512x2048xi32>
    %shift_right_logical3A = arith.constant 7 : i32
    %shift_right_logical3A_27 = vector.broadcast %shift_right_logical3A : i32 to vector<512x2048xi32>
    %shift_right_logical3A_28 = arith.shrui %sub3A_26, %shift_right_logical3A_27 : vector<512x2048xi32>
    %and3A = arith.constant 16843009 : i32
    %and3A_29 = vector.broadcast %and3A : i32 to vector<512x2048xi32>
    %and3A_30 = arith.andi %shift_right_logical3A_28, %and3A_29 : vector<512x2048xi32>
    %swap3A = arith.constant 0 : index
    %swap3A_31 = arith.constant 0 : index
    %swap3A_32 = vector.load %arg8[%swap3A, %swap3A_31] : memref<512x2048xi32, #tpu.memory_space<vmem>>, vector<512x2048xi32>
    tpu.vector_store %arg8[%swap3A, %swap3A_31], %and3A_30 {strides = array<i32>} : memref<512x2048xi32, #tpu.memory_space<vmem>>, vector<512x2048xi32>,
    %get3A_33 = arith.constant 0 : index
    %get3A_34 = arith.constant 0 : index
    %get3A_35 = vector.load %arg5[%get3A_33, %get3A_34] : memref<1x512xi32, #tpu.memory_space<vmem>>, vector<1x512xi32>
    %xor3A_36 = vector.broadcast %get3A_19 : vector<512x1xi32> to vector<512x512xi32>
    %xor3A_37 = vector.broadcast %get3A_35 : vector<1x512xi32> to vector<512x512xi32>
    %xor3A_38 = arith.xori %xor3A_36, %xor3A_37 : vector<512x512xi32>
    %sub3A_39 = arith.constant -2139062144 : i32
    %sub3A_40 = vector.broadcast %sub3A_39 : i32 to vector<512x512xi32>
    %sub3A_41 = arith.subi %sub3A_40, %xor3A_38 : vector<512x512xi32>
    %shift_right_logical3A_42 = arith.constant 7 : i32
    %shift_right_logical3A_43 = vector.broadcast %shift_right_logical3A_42 : i32 to vector<512x512xi32>
    %shift_right_logical3A_44 = arith.shrui %sub3A_41, %shift_right_logical3A_43 : vector<512x512xi32>
    %and3A_45 = arith.constant 16843009 : i32
    %and3A_46 = vector.broadcast %and3A_45 : i32 to vector<512x512xi32>
    %and3A_47 = arith.andi %shift_right_logical3A_44, %and3A_46 : vector<512x512xi32>
    %swap3A_48 = arith.constant 0 : index
    %swap3A_49 = arith.constant 0 : index
    %swap3A_50 = vector.load %arg9[%swap3A_48, %swap3A_49] : memref<512x512xi32, #tpu.memory_space<vmem>>, vector<512x512xi32>
    tpu.vector_store %arg9[%swap3A_48, %swap3A_49], %and3A_47 {strides = array<i32>} : memref<512x512xi32, #tpu.memory_space<vmem>>, vector<512x512xi32>,
    %dma_wait3A = arith.constant 0 : i32
    %dma_wait3A_51 = arith.constant 0 : i32
    %dma_wait3A_52 = tpu.memref_slice %arg6[%dma_wait3A, %mul3A_2, %dma_wait3A_51] : memref<1x8192x1024xf32, #tpu.memory_space<hbm>> -> memref<1x512x1024xf32, #tpu.memory_space<hbm>>
    %dma_wait3A_53 = arith.constant 0 : i32
    %dma_wait3A_54 = arith.constant 0 : i32
    %dma_wait3A_55 = tpu.memref_slice %arg1[%dma_wait3A_53, %mul3A_0, %dma_wait3A_54] : memref<1x8192x1024xf32, #tpu.memory_space<hbm>> -> memref<1x512x1024xf32, #tpu.memory_space<hbm>>
    tpu.wait_dma2 semaphore(%arg10 : memref<!tpu.dma_semaphore, #tpu.memory_space<semaphore_mem>>) src(%dma_wait3A_55 : memref<1x512x1024xf32, #tpu.memory_space<hbm>>) dst(%dma_wait3A_52 : memref<1x512x1024xf32, #tpu.memory_space<hbm>>)
    %dma_wait3A_56 = arith.constant 0 : i32
    %dma_wait3A_57 = arith.constant 0 : i32
    %dma_wait3A_58 = tpu.memref_slice %arg7[%dma_wait3A_56, %mul3A_6, %dma_wait3A_57] : memref<1x2048x1024xf32, #tpu.memory_space<hbm>> -> memref<1x128x1024xf32, #tpu.memory_space<hbm>>
    %dma_wait3A_59 = arith.constant 0 : i32
    %dma_wait3A_60 = arith.constant 0 : i32
    %dma_wait3A_61 = tpu.memref_slice %arg2[%dma_wait3A_59, %mul3A_4, %dma_wait3A_60] : memref<1x2048x1024xf32, #tpu.memory_space<hbm>> -> memref<1x128x1024xf32, #tpu.memory_space<hbm>>
    tpu.wait_dma2 semaphore(%arg11 : memref<!tpu.dma_semaphore, #tpu.memory_space<semaphore_mem>>) src(%dma_wait3A_61 : memref<1x128x1024xf32, #tpu.memory_space<hbm>>) dst(%dma_wait3A_58 : memref<1x128x1024xf32, #tpu.memory_space<hbm>>)
    return
  }
  func.func @transform_2(%arg0: i32) -> (i32, i32) {
    %c0_i32 = arith.constant 0 : i32
    %c0_i32_0 = arith.constant 0 : i32
    return %arg0, %c0_i32 : i32, i32
  }
  func.func @transform_3(%arg0: i32) -> (i32, i32) {
    %c0_i32 = arith.constant 0 : i32
    %c0_i32_0 = arith.constant 0 : i32
    %c0_i32_1 = arith.constant 0 : i32
    return %c0_i32, %c0_i32_0 : i32, i32
  }
  func.func @transform_4(%arg0: i32) -> (i32, i32) {
    %c0_i32 = arith.constant 0 : i32
    %c0_i32_0 = arith.constant 0 : i32
    %c0_i32_1 = arith.constant 0 : i32
    return %c0_i32, %c0_i32_0 : i32, i32
  }
  func.func @transform_7(%arg0: i32) -> (i32, i32) {
    %c0_i32 = arith.constant 0 : i32
    %c0_i32_0 = arith.constant 0 : i32
    return %arg0, %c0_i32 : i32, i32
  }
  func.func @transform_8(%arg0: i32) -> (i32, i32) {
    %c0_i32 = arith.constant 0 : i32
    %c0_i32_0 = arith.constant 0 : i32
    return %arg0, %c0_i32 : i32, i32
  }
}

</mosaic_0001>

<sc_bundles>
// kernel: sparse-core-data-format-call.cloned.1.call-start
scs
called_computation_lowered:
.L_overlay_start_0:
0x0: {  	s2 =	sld [smem:$0x3FD9]  }
0x1: {  	s3 =	sld [smem:$0x3FFE];
	_ =	sdelay $0x1  }
0x2: {  	s1 =	srdreg.scid  }
0x3: {  	s0 =	sand.u32 $0x1, s1  }
0x4: {  	s15 =	sshll.u32 s0, $0xA;
	s2 =	sadd.s32 s3, s2  }
0x5: {  	s2 =	sadd.s32 s2, s15  }
0x6: {  	[smem:$0x3FC4] =	sst s2  }
0x7: {  	_ = 	snop  }
0x8: {  	s2 =	sld [smem:$0x3FD0];
	_ =	sdelay $0x2  }
0x9: {  	s16 =	simm.s32 $0xA;
	s4 =	simm.s32 $0x10  }
0xa: {  	[smem:s4], [sflag:s16] =	dma.local [hbm:s2], $0x1  }
0xb: {  	_ =	swait.eq [sflag:s16], $0x1  }
0xc: {  	[sflag:s16] =	ssyncset.done $0x0  }
0xd: {  	[sflag:s16] =	ssyncadd.s32 $0xFFFFFFFF  }
0xe: {  	s17 =	sld [smem:$0x12];
	(tm) =	ssettm $0x1  }
0xf: {  	s18 =	sld [smem:$0x3FFB];
	_ =	sdelay $0x3  }
0x10: {  	_ =	strace s18  }
0x11: {  	s3 =	sld [smem:$0x3FFC];
	_ =	sdelay $0x3  }
0x12: {  	_ =	strace s3  }
0x13: {  	s3 =	sld [smem:$0x3FFD];
	_ =	sdelay $0x3  }
0x14: {  	_ =	strace s3  }
0x15: {  	_ =	strace $0x8FFFFFFF  }
0x16: {  	s19 =	sld [smem:$0x3FDB];
	_ =	sdelay $0x1  }
0x17: {  	s20 =	simm.s32 $_scs_section_size  }
0x18: {  	s5 =	simm.s32 $_size__tile_overlayer_lowered;
	s6 =	simm.s32 $_tile_overlayer_lowered  }
0x19: {  	s23 =	simm.s32 $0x1BFF;
	s22 =	sshll.u32 s6, $0x1;
	s3 =	sadd.s32 s20, s19  }
0x1a: {  	s7 =	simm.s32 $0x0;
	s21 =	sshll.u32 s5, $0x1;
	s5 =	sadd.s32 s22, s3  }
0x1b: {  	[timem:s7], [sflag:s23] =	dma.local [hbm:s5], s21  }
0x1c: {  	_ =	swait.ge [sflag:s23], s21  }
0x1d: {  	s4 =	ssub.s32 $0x0, s21;
	[sflag:s23] =	ssyncset.done $0x0  }
0x1e: {  	[sflag:s23] =	ssyncadd.s32 s4;
	_ =	sdelay $0x1  }
0x1f: {  	s24 =	simm.s32 $0x1B8B  }
0x20: {  	_ =	swait.ge [sflag:s24], $0x1  }
0x21: {  	[sflag:s24] =	ssyncset.done $0x0  }
0x22: {  	s26 =	simm.s32 $0x1B8E;
	s25 =	sld [smem:$0x3FFE];
	[sflag:s24] =	ssyncadd.s32 $0xFFFFFFFF  }
0x23: {  	s27 =	simm.s32 $execute0_lowered;
	[smem:$0x3FD2] =	sst s26  }
0x24: {  	s5 =	sshll.u32 s27, $0x1;
	_ =	strace $0x80000046;
	[dreg:$0x1] =	wrdreg $0xFFFFFFFF  }
0x25: {  	s28 =	simm.s32 $_size_execute0_lowered;
	s3 =	sadd.s32 s3, s5;
	[dreg:$0x0] =	wrdreg $0x0  }
0x26: {  	s5 =	sshll.u32 s28, $0x1;
	[dreg:$0x2] =	wrdreg s3  }
0x27: {  	[dreg:$0x3] =	wrdreg s5  }
0x28: {  	[dreg:$0x4] =	wrdreg $0xC0  }
0x29: {  	_ =	task [dreg:s7], $0x5FFFF  }
0x2a: {  	[dreg:$0x1] =	wrdreg $0xFFFFFFFF  }
0x2b: {  	[dreg:$0x0] =	wrdreg $0x60  }
0x2c: {  	[dreg:$0x2] =	wrdreg s25  }
0x2d: {  	[dreg:$0x3] =	wrdreg s17  }
0x2e: {  	[dreg:$0x4] =	wrdreg $0x9  }
0x2f: {  	_ =	task.clear_ibuf [dreg:s7], $0x5FFFF;
	_ =	strace $0x90000046  }
0x30: {  	s29 =	simm.s32 $0x9;
	_ =	strace $0x80000048  }
0x31: {  	_ =	swait.ge [sflag:s29], $0x1  }
0x32: {  	[sflag:s29] =	ssyncadd.s32 $0xFFFFFFFF  }
0x33: {  	_ =	strace $0x90000048  }
0x34: {  	_ =	sfence  }
0x35: {  	s30 =	sld [smem:$0x0];
	_ =	sdelay $0x2  }
0x36: {  	s31 =	sshll.u32 s1, $0xD;
	s1 =	sshrl.u32 s1, $0x2  }
0x37: {  	s3 =	sand.u32 $0x4000, s31;
	s1 =	sadd.s32 s1, s30  }
0x38: {  	s0 =	sor.u32 s3, s0;
	s1 =	sshll.u32 s1, $0x11  }
0x39: {  	s0 =	sor.u32 s1, s0  }
0x3a: {  	s0 =	sadd.s32 $0x8F2B, s0  }
0x3b: {  	[sflag:s0] =	ssyncadd.remote.s32 $0x1  }
0x3c: {  	_ =	sfence.sel $0xFFFF  }
0x3d: {  	[dreg:$0x0] =	wrdreg $0xFFFFFFFF;
	(pc) =	sbr.abs _section_cstart, $3  }
0x3e: {  	[dreg:$0x1] =	wrdreg $0xFFFFFFFF  }
0x3f: {  	_ =	task.clear_ibuf [dreg:s7], $0x2FFFF;
	_ =	strace $0x9FFFFFFF  }
0x40: {  	(tm) =	ssettm $0x7FFFFFFF  }
0x41: {  	_ =	shalt  }
tec
execute0_lowered:
.L_overlay_start_1:
0x0: {  	(tag) =	ssettag $0x1  }
0x1: {  	s0 =	srdreg.scid  }
0x2: {  	s1 =	sshll.u32 s0, $0x4  }
0x3: {  	s6 =	rddreg [dreg:$0x0];
	s0 =	stileid.u32;
	s1 =	sand.u32 $0x10, s1  }
0x4: {  	s3 =	rddreg [dreg:$0x1];
	s5 =	simm.s32 $0x1;
	s1 =	sor.u32 s0, s1  }
0x5: {  	s31 =	simm.s32 $0x2;
	s13 =	simm.s32 $0x0;
	s2 =	sshll.u32 s1, $0x7  }
0x6: {  	s8 =	simm.s32 $0x10000;
	s12 =	simm.s32 $0x0;
	s4 =	ssub.s32 $0x2000, s2  }
0x7: {  	s9 =	simm.s32 $0x0;
	s11 =	simm.s32 $0x0;
	s30 =	sand.u32 $0xF80, s4  }
.Ltmp0:
0x8: {  	s6 =	sadd.s32 $0x400, s6;
	p0 =	sne.s32 s30, $0x0;
	(pc) =	sbr.rel .LBB1_1-.Ltmp0, $4  }
0x9: {  	s1 =	rddreg [dreg:$0x2];
	s7 =	sshrl.u32 s4, $0xC;
	s5 =	simm.s32 @!p0 $0x0  }
0xa: {  	_ =	strace $0x80000047;
	s4 =	simm.s32 $0x1;
	s5 =	sadd.s32 s5, s7  }
0xb: {  	s10 =	smov.u32 s2;
	[sflag:s4] =	ssyncpa.u1 $0x0;
	s5 =	sshll.u32 s5, $0x5  }
0xc: {  	[sflag:s31] =	ssyncpa.u1 $0x0;
	p0 =	por $0x0, $0x0;
	s7 =	sor.u32 $0x1, s5  }
.LBB1_4:
0xd: {  	v12 =	vand.u32 $0xFF, v22;
	v8 =	vand.u32 $0xFF, v8;
	[tilespmem:s15+$0xFFFFFFFE ss:$0x81] =	vst.msk $0xffff, v20;
	v9 =	vpack.c.b16.b8 v14, v9  }
0xe: {  	[tilespmem:s15+$0xFFFFEFDF ss:$0x81] =	vst.msk $0xffff, v15;
	v7 =	vand.u32 $0xFF, v7;
	v61 =	vpack.c.b16.b8 v18, v21;
	v3 =	vshrl.u32 v3, $0x18  }
0xf: {  	s14 =	sshll.u32 s13, $0xD;
	s17 =	sshll.u32 s12, $0x5;
	v1 =	vshrl.u32 v1, $0x18;
	v11 =	vpack.c.b32.b16 v12, v11;
	v8 =	vpack.c.b32.b16 v8, v17;
	[tilespmem:s15+$0xFFFFEFE0 ss:$0x81] =	vst.msk $0xffff, v9  }
0x10: {  	v0 =	vshrl.u32 v0, $0x18;
	s19 =	sshll.u32 s12, $0x2;
	v5 =	vshrl.u32 v5, $0x18;
	s30 =	sshll.u32 s13, $0x7;
	v4 =	vpack.c.b32.b16 v4, v7;
	s14 =	sand.u32 $0x3FC0000, s14;
	[tilespmem:s15+$0xFFFFE7CE ss:$0x81] =	vst.msk $0xffff, v61  }
0x11: {  	s18 =	sand.u32 $0x3FFF000, s17;
	v2 =	vpack.c.b32.b16 v2, v3;
	v0 =	vpack.c.b32.b16 v0, v1;
	s19 =	sand.u32 $0x1E0, s19;
	s17 =	sand.u32 $0x1000, s17;
	v8 =	vpack.c.b16.b8 v8, v11;
	[tilespmem:s15+$0xFFFFE7CF ss:$0x81] =	vst.msk $0xffff, v16  }
0x12: {  	v62 =	vpack.c.b32.b16 v6, v5;
	s13 =	sand.u32 $0xE00, s30;
	s14 =	sadd.s32 s18, s14;
	s17 =	sor.u32 s17, s19;
	v63 =	vpack.c.b16.b8 v10, v4;
	[tilespmem:s15+$0xFFFFE7D0 ss:$0x81] =	vst.msk $0xffff, v19  }
0x13: {  	v0 =	vpack.c.b16.b8 v0, v2;
	s14 =	sand.u32 $0x3FFE000, s14;
	s13 =	sor.u32 s13, s17;
	[tilespmem:s15+$0xFFFFF7EF ss:$0x81] =	vst.msk $0xffff, v8  }
0x14: {  	s31 =	sand.u32 $0x7, s12;
	v1 =	vpack.c.b16.b8 v62, v13;
	s13 =	sor.u32 s14, s13;
	[tilespmem:s15+$0xFFFFFFFF ss:$0x81] =	vst.msk $0xffff, v63  }
0x15: {  	s12 =	sshll.u32 s31, $0x12;
	s13 =	sshrl.u32 s13, $0x5;
	[tilespmem:s15+$0x0 ss:$0x81] =	vst.msk $0xffff, v0  }
0x16: {  	s12 =	sor.u32 $0x400, s12;
	[tilespmem:s15+$0xFFFFF7F0 ss:$0x81] =	vst.msk $0xffff, v1;
	s13 =	sadd.s32 s3, s13  }
0x17: {  	[hbm4b:s13+s12] =	stream.strided.scatter [tilespmem:s16], [sflag:$0x2], $0x2000, s8, s12, $0x20;
	[tilespmem:$0x8080] =	vst v63  }
.LBB1_5:
0x18: {  	s14 =	sadd.s32 $0x100, s9  }
0x19: {  	s12 =	sadd.s32 $0x1000, s10;
	s16 =	smov.u32 s10;
	p2 =	sgt.s32 s14, $0x1FFF  }
0x1a: {  	s16 =	smov.u32 @p2 s12  }
0x1b: {  	s14 =	simm.s32 @p2 $0x0;
	p2 =	sgt.s32 s16, $0x1FFF  }
0x1c: {  	s16 =	smov.u32 @p2 s2;
	p2 =	sne.s32 s11, s7  }
.Ltmp1:
0x1d: {  	p1 =	slt.u32 s11, $0x2;
	(pc) =	sbr.rel @!p2 .LBB1_6-.Ltmp1, $4  }
0x1e: {  	s15 =	simm.s32 @!p1 $0x2  }
0x1f: {  	s13 =	smov.u32 s9;
	p0 =	por !p0, !p0;
	_ =	swait.ge @!p1 [sflag:s15], $0x2000  }
0x20: {  	s12 =	smov.u32 s10;
	[sflag:s15] =	ssyncset.done @!p1 $0x0;
	s9 =	smov.u32 s14  }
0x21: {  	s11 =	sadd.s32 $0x1, s11;
	[sflag:s15] =	ssyncadd.s32 @!p1 $0xFFFFE000;
	s10 =	smov.u32 s16  }
.LBB1_1:
0x22: {  	p1 =	sge.u32 s11, s5  }
0x23: {  	s31 =	sadd.s32 $0xFFFFFFFF, s11;
	s14 =	sshll.u32 @!p1 s10, $0xD  }
0x24: {  	s15 =	sshll.u32 @!p1 s9, $0x5;
	s16 =	sshll.u32 @!p1 s10, $0x7;
	s17 =	sshll.u32 @!p1 s9, $0x2  }
0x25: {  	s14 =	sand.u32 @!p1 $0x3FC0000, s14;
	s16 =	sand.u32 @!p1 $0xE00, s16;
	s18 =	sand.u32 @!p1 $0x1000, s15  }
0x26: {  	s14 =	sadd.s32 @!p1 s14, s15;
	s15 =	sand.u32 @!p1 $0x1E0, s17;
	s16 =	sor.u32 @!p1 s16, s18  }
0x27: {  	s17 =	simm.s32 @!p1 $0x10000;
	s14 =	sand.u32 @!p1 $0x3FFE000, s14;
	s15 =	sor.u32 @!p1 s15, s16  }
0x28: {  	s16 =	sand.u32 @!p1 $0x7, s9;
	s14 =	sor.u32 @!p1 s14, s15;
	s15 =	sxor.u32 @!p1 $0xFFFFFFFF, s11  }
0x29: {  	s16 =	sshll.u32 @!p1 s16, $0x12;
	s14 =	sshrl.u32 @!p1 s14, $0x5;
	s15 =	sshll.u32 @!p1 s15, $0xD  }
0x2a: {  	s16 =	sor.u32 @!p1 $0x800, s16;
	s14 =	sadd.s32 @!p1 s6, s14;
	s15 =	sand.u32 @!p1 $0x2000, s15  }
0x2b: {  	[tilespmem:s15], [sflag:$0x1] =	stream.strided.gather @!p1 [hbm4b:s14+s16], $0x2000, s17, s16, $0x38;
	[tilespmem:$0x8080] =	vst v63  }
0x2c: {  	p1 =	sge.u32 s31, s5  }
.Ltmp2:
0x2d: {  	_ = 	snop;
	(pc) =	sbr.rel @p1 .LBB1_5-.Ltmp2, $1  }
0x2e: {  	_ =	sdelay $0x3  }
0x2f: {  	s15 =	simm.s32 $0x0  }
0x30: {  	s16 =	sand.u32 $0x1, s11;
	_ =	swait.ge [sflag:s4], $0x2000;
	s17 =	sand.u32 $0x6000, s15  }
0x31: {  	s14 =	sshll.u32 s16, $0xD;
	s15 =	sand.u32 $0xE00, s15;
	s17 =	sshrl.u32 s17, $0x2  }
0x32: {  	[sflag:s4] =	ssyncset.done $0x0;
	s15 =	sshrl.u32 s15, $0x2;
	s17 =	sadd.s32 s17, s14  }
0x33: {  	[sflag:s4] =	ssyncadd.s32 $0xFFFFE000;
	s15 =	sadd.s32 s15, s17  }
0x34: {  	v11 =	vld [tilespmem:s15+$0x450]  }
0x35: {  	v0 =	vld [tilespmem:s15+$0x470]  }
0x36: {  	v1 =	vld [tilespmem:s15+$0x460]  }
0x37: {  	v3 =	vld [tilespmem:s15+$0x440]  }
0x38: {  	v10 =	vld [tilespmem:s15+$0x410]  }
0x39: {  	v8 =	vld [tilespmem:s15+$0x430]  }
0x3a: {  	v5 =	vld [tilespmem:s15+$0x420]  }
0x3b: {  	v14 =	vld [tilespmem:s15+$0x50]  }
0x3c: {  	v16 =	vld [tilespmem:s15+$0x40]  }
0x3d: {  	v18 =	vld [tilespmem:s15+$0x70]  }
0x3e: {  	v21 =	vld [tilespmem:s15+$0x0];
	v2 =	vshrl.u32 v11, $0x18;
	v4 =	vshrl.u32 v11, $0x10  }
0x3f: {  	v23 =	vld [tilespmem:s15+$0x20];
	v6 =	vshrl.u32 v0, $0x8;
	v9 =	vand.u32 $0xFF, v0;
	v12 =	vshrl.u32 v1, $0x10  }
0x40: {  	v26 =	vld [tilespmem:s15+$0x400];
	v7 =	vshrl.u32 v1, $0x8;
	v13 =	vand.u32 $0xFF, v1;
	v15 =	vshrl.u32 v3, $0x8  }
0x41: {  	v29 =	vld [tilespmem:s15+$0x10];
	v17 =	vshrl.u32 v10, $0x8;
	v19 =	vshrl.u32 v8, $0x8;
	v22 =	vshrl.u32 v10, $0x18  }
0x42: {  	v30 =	vld [tilespmem:s15+$0x60];
	v24 =	vand.u32 $0xFF, v8;
	v25 =	vshrl.u32 v0, $0x10;
	v27 =	vshrl.u32 v5, $0x8  }
0x43: {  	v28 =	vand.u32 $0xFF, v3;
	v31 =	vshrl.u32 v16, $0x8;
	v32 =	vand.u32 $0xFF, v16  }
0x44: {  	v41 =	vld [tilespmem:s15+$0x30];
	v33 =	vshrl.u32 v18, $0x18;
	v34 =	vshrl.u32 v14, $0x8;
	v35 =	vshrl.u32 v21, $0x18  }
0x45: {  	v36 =	vshrl.u32 v23, $0x10;
	v37 =	vshrl.u32 v14, $0x10;
	v38 =	vshrl.u32 v16, $0x10  }
0x46: {  	v39 =	vand.u32 $0xFF, v18;
	v40 =	vshrl.u32 v26, $0x8;
	v42 =	vshrl.u32 v29, $0x10  }
0x47: {  	v43 =	vand.u32 $0xFF, v26;
	v16 =	vshrl.u32 v16, $0x18;
	v44 =	vand.u32 $0xFF, v30  }
0x48: {  	v45 =	vshrl.u32 v30, $0x8;
	v46 =	vshrl.u32 v18, $0x10;
	v47 =	vshrl.u32 v23, $0x8  }
0x49: {  	v48 =	vshrl.u32 v41, $0x8;
	v49 =	vand.u32 $0xFF, v10;
	v50 =	vshrl.u32 v29, $0x18  }
0x4a: {  	v51 =	vand.u32 $0xFF, v21;
	v18 =	vshrl.u32 v18, $0x8;
	v62 =	vshrl.u32 v21, $0x10  }
0x4b: {  	v63 =	vand.u32 $0xFF, v41;
	v52 =	vshrl.u32 v26, $0x10;
	v21 =	vshrl.u32 v21, $0x8  }
0x4c: {  	v56 =	vshrl.u32 v29, $0x8;
	v61 =	vshrl.u32 v41, $0x18;
	v4 =	vand.u32 $0xFF, v4  }
0x4d: {  	v7 =	vand.u32 $0xFF, v7;
	v6 =	vand.u32 $0xFF, v6;
	v15 =	vand.u32 $0xFF, v15  }
0x4e: {  	v13 =	vpack.c.b32.b16 v9, v13;
	v12 =	vand.u32 $0xFF, v12;
	v9 =	vand.u32 $0xFF, v5  }
0x4f: {  	v17 =	vand.u32 $0xFF, v17;
	v31 =	vand.u32 $0xFF, v31;
	v27 =	vand.u32 $0xFF, v27  }
0x50: {  	v38 =	vand.u32 $0xFF, v38;
	v19 =	vand.u32 $0xFF, v19;
	v37 =	vand.u32 $0xFF, v37  }
0x51: {  	v45 =	vand.u32 $0xFF, v45;
	v47 =	vand.u32 $0xFF, v47;
	v48 =	vand.u32 $0xFF, v48  }
0x52: {  	v35 =	vpack.c.b32.b16 v50, v35;
	v18 =	vand.u32 $0xFF, v18;
	v43 =	vpack.c.b32.b16 v49, v43  }
0x53: {  	v54 =	vand.u32 $0xFF, v34;
	v55 =	vand.u32 $0xFF, v46;
	v57 =	vand.u32 $0xFF, v42  }
0x54: {  	v58 =	vand.u32 $0xFF, v56;
	v39 =	vpack.c.b32.b16 v39, v44;
	v21 =	vand.u32 $0xFF, v21  }
0x55: {  	v60 =	vand.u32 $0xFF, v36;
	v62 =	vand.u32 $0xFF, v62;
	v20 =	vpack.c.b32.b16 v6, v7  }
0x56: {  	v7 =	vshrl.u32 v3, $0x10;
	v6 =	vshrl.u32 v8, $0x18;
	v24 =	vpack.c.b32.b16 v24, v9  }
0x57: {  	v9 =	vshrl.u32 v14, $0x18;
	v8 =	vshrl.u32 v8, $0x10;
	v14 =	vand.u32 $0xFF, v14  }
0x58: {  	v37 =	vpack.c.b32.b16 v37, v38;
	v38 =	vshrl.u32 v41, $0x10;
	v19 =	vpack.c.b32.b16 v19, v27  }
0x59: {  	v27 =	vpack.c.b32.b16 v54, v31;
	v59 =	vpack.c.b32.b16 v18, v45;
	v18 =	vpack.c.b32.b16 v48, v47  }
0x5a: {  	s15 =	simm.s32 $0x1;
	v21 =	vpack.c.b32.b16 v58, v21;
	v9 =	vpack.c.b32.b16 v9, v16;
	v16 =	vand.u32 $0xFF, v40  }
0x5b: {  	s15 =	simm.s32 @!p0 $0x0;
	v40 =	vshrl.u32 v23, $0x18;
	v23 =	vand.u32 $0xFF, v23;
	v14 =	vpack.c.b32.b16 v14, v32  }
0x5c: {  	s15 =	smul.u32 $0x8100, s15;
	v38 =	vand.u32 $0xFF, v38;
	v16 =	vpack.c.b32.b16 v17, v16;
	v17 =	vshrl.u32 v30, $0x10  }
0x5d: {  	v24 =	vpack.c.b16.b8 v24, v43;
	v23 =	vpack.c.b32.b16 v63, v23;
	v27 =	vpack.c.b16.b8 v59, v27  }
0x5e: {  	s15 =	sshrl.u32 s15, $0x2;
	v31 =	vpack.c.b32.b16 v38, v60;
	v16 =	vpack.c.b16.b8 v19, v16;
	v19 =	vand.u32 $0xFF, v29  }
0x5f: {  	s15 =	sadd.s32 $0x5833, s15;
	v17 =	vand.u32 $0xFF, v17;
	v14 =	vpack.c.b16.b8 v39, v14;
	v19 =	vpack.c.b32.b16 v19, v51  }
0x60: {  	v63 =	vpack.c.b32.b16 v61, v40;
	v29 =	vpack.c.b32.b16 v57, v62;
	[tilespmem:s15+$0xFFFFF7ED ss:$0x81] =	vst.msk $0xffff, v24;
	v17 =	vpack.c.b32.b16 v55, v17  }
0x61: {  	[tilespmem:s15+$0xFFFFEFDD ss:$0x81] =	vst.msk $0xffff, v14;
	v14 =	vshrl.u32 v30, $0x18;
	v23 =	vpack.c.b16.b8 v23, v19;
	v19 =	vshrl.u32 v11, $0x8  }
0x62: {  	[tilespmem:s15+$0xFFFFF7EE ss:$0x81] =	vst.msk $0xffff, v16;
	v16 =	vpack.c.b16.b8 v31, v29;
	v11 =	vand.u32 $0xFF, v11;
	v19 =	vand.u32 $0xFF, v19  }
0x63: {  	v14 =	vpack.c.b32.b16 v33, v14;
	v28 =	vpack.c.b32.b16 v11, v28;
	v15 =	vpack.c.b32.b16 v19, v15  }
0x64: {  	s16 =	smul.u32 $0x8100, s16;
	v11 =	vand.u32 $0xFF, v52;
	v19 =	vpack.c.b16.b8 v63, v35;
	[tilespmem:s15+$0xFFFFE7CD ss:$0x81] =	vst.msk $0xffff, v23;
	v23 =	vand.u32 $0xFF, v25  }
0x65: {  	v28 =	vpack.c.b16.b8 v13, v28;
	v13 =	vshrl.u32 v26, $0x18;
	v20 =	vpack.c.b16.b8 v20, v15  }
0x66: {  	s18 =	simm.s32 $0x200;
	s19 =	simm.s32 $0x400;
	s16 =	sshrl.u32 s16, $0x2;
	[tilespmem:s15+$0xFFFFEFDE ss:$0x81] =	vst.msk $0xffff, v27;
	v15 =	vpack.c.b16.b8 v17, v37;
	v13 =	vpack.c.b32.b16 v22, v13;
	v17 =	vshrl.u32 v5, $0x10  }
0x67: {  	s16 =	sor.u32 $0x4000, s16;
	s17 =	simm.s32 $0x0;
	s20 =	smov.u32 s15;
	v22 =	vshrl.u32 v10, $0x10;
	v10 =	vpack.c.b32.b16 v23, v12;
	[tilespmem:s15+$0xFFFFFFFD ss:$0x81] =	vst.msk $0xffff, v28;
	v17 =	vand.u32 $0xFF, v17  }
.LBB1_3:
0x68: {  	s21 =	sand.u32 $0x6000, s19;
	s17 =	sadd.s32 $0x4, s17;
	v12 =	vand.u32 $0xFF, v22;
	v5 =	vshrl.u32 v5, $0x18;
	v8 =	vand.u32 $0xFF, v8;
	[tilespmem:s15+$0xFFFFFFFE ss:$0x81] =	vst.msk $0xffff, v20;
	s20 =	sadd.s32 $0x4, s20  }
0x69: {  	s22 =	sand.u32 $0xE00, s18;
	v7 =	vand.u32 $0xFF, v7;
	s21 =	sshrl.u32 s21, $0x2;
	p1 =	slt.u32 s17, $0x7C;
	[tilespmem:s15+$0xFFFFEFDF ss:$0x81] =	vst.msk $0xffff, v15;
	v11 =	vpack.c.b32.b16 v12, v11;
	v8 =	vpack.c.b32.b16 v8, v17  }
0x6a: {  	v9 =	vpack.c.b16.b8 v14, v9;
	s22 =	sshrl.u32 s22, $0x2;
	v5 =	vpack.c.b32.b16 v6, v5;
	v4 =	vpack.c.b32.b16 v4, v7;
	s21 =	sadd.s32 s21, s14  }
0x6b: {  	v3 =	vshrl.u32 v3, $0x18;
	v6 =	vpack.c.b16.b8 v18, v21;
	s21 =	sadd.s32 s22, s21;
	v7 =	vpack.c.b16.b8 v8, v11  }
0x6c: {  	v2 =	vpack.c.b32.b16 v2, v3;
	v8 =	vpack.c.b16.b8 v5, v13;
	v4 =	vpack.c.b16.b8 v10, v4;
	v11 =	vld [tilespmem:s21+$0x450];
	[tilespmem:s15+$0xFFFFEFE0 ss:$0x81] =	vst.msk $0xffff, v9  }
0x6d: {  	v3 =	vshrl.u32 v1, $0x18;
	v5 =	vshrl.u32 v0, $0x18;
	[tilespmem:s15+$0xFFFFF7EF ss:$0x81] =	vst.msk $0xffff, v7;
	v0 =	vld [tilespmem:s21+$0x470]  }
0x6e: {  	v5 =	vpack.c.b32.b16 v5, v3;
	v1 =	vld [tilespmem:s21+$0x460];
	[tilespmem:s15+$0xFFFFE7CE ss:$0x81] =	vst.msk $0xffff, v6  }
0x6f: {  	v3 =	vld [tilespmem:s21+$0x440];
	[tilespmem:s15+$0xFFFFE7CF ss:$0x81] =	vst.msk $0xffff, v16  }
0x70: {  	v5 =	vpack.c.b16.b8 v5, v2;
	v10 =	vld [tilespmem:s21+$0x410];
	[tilespmem:s15+$0xFFFFE7D0 ss:$0x81] =	vst.msk $0xffff, v19  }
0x71: {  	v9 =	vld [tilespmem:s21+$0x430];
	v2 =	vshrl.u32 v11, $0x18;
	v6 =	vshrl.u32 v11, $0x10;
	[tilespmem:s15+$0xFFFFFFFF ss:$0x81] =	vst.msk $0xffff, v4  }
0x72: {  	v18 =	vld [tilespmem:s21+$0x50];
	v4 =	vand.u32 $0xFF, v6;
	v6 =	vshrl.u32 v0, $0x8;
	v12 =	vand.u32 $0xFF, v0;
	[tilespmem:s15+$0x0 ss:$0x81] =	vst.msk $0xffff, v5  }
0x73: {  	v5 =	vld [tilespmem:s21+$0x420];
	v17 =	vshrl.u32 v1, $0x10;
	v7 =	vshrl.u32 v1, $0x8;
	v14 =	vand.u32 $0xFF, v1;
	[tilespmem:s15+$0xFFFFF7F0 ss:$0x81] =	vst.msk $0xffff, v8;
	s15 =	smov.u32 s20  }
0x74: {  	v6 =	vand.u32 $0xFF, v6;
	v21 =	vld [tilespmem:s21+$0x0];
	v8 =	vshrl.u32 v3, $0x8;
	v7 =	vand.u32 $0xFF, v7  }
0x75: {  	v22 =	vld [tilespmem:s21+$0x40];
	v23 =	vshrl.u32 v10, $0x8;
	v16 =	vand.u32 $0xFF, v8;
	v13 =	vpack.c.b32.b16 v6, v7  }
0x76: {  	v19 =	vpack.c.b32.b16 v12, v14;
	v7 =	vshrl.u32 v3, $0x10;
	v24 =	vld [tilespmem:s21+$0x70];
	v25 =	vshrl.u32 v9, $0x8  }
0x77: {  	v12 =	vand.u32 $0xFF, v17;
	v14 =	vshrl.u32 v10, $0x18;
	v6 =	vshrl.u32 v9, $0x18;
	v15 =	vld [tilespmem:s21+$0x60]  }
0x78: {  	v17 =	vshrl.u32 v0, $0x10;
	v27 =	vand.u32 $0xFF, v9;
	v26 =	vld [tilespmem:s21+$0x20];
	v8 =	vand.u32 $0xFF, v5  }
0x79: {  	v29 =	vand.u32 $0xFF, v3;
	v28 =	vshrl.u32 v5, $0x8;
	v20 =	vld [tilespmem:s21+$0x400];
	v27 =	vpack.c.b32.b16 v27, v8  }
0x7a: {  	v23 =	vand.u32 $0xFF, v23;
	v31 =	vshrl.u32 v18, $0x18;
	v8 =	vshrl.u32 v9, $0x10;
	v30 =	vld [tilespmem:s21+$0x10]  }
0x7b: {  	v9 =	vshrl.u32 v22, $0x8;
	v33 =	vand.u32 $0xFF, v22;
	v32 =	vld [tilespmem:s21+$0x30];
	v34 =	vshrl.u32 v24, $0x18  }
0x7c: {  	v36 =	vshrl.u32 v18, $0x8;
	v28 =	vand.u32 $0xFF, v28;
	v35 =	vand.u32 $0xFF, v9  }
0x7d: {  	v39 =	vshrl.u32 v18, $0x10;
	v37 =	vshrl.u32 v21, $0x18;
	v38 =	vshrl.u32 v26, $0x10  }
0x7e: {  	v9 =	vshrl.u32 v22, $0x10;
	v40 =	vand.u32 $0xFF, v24;
	v41 =	vshrl.u32 v20, $0x8  }
0x7f: {  	v43 =	vand.u32 $0xFF, v9;
	v44 =	vand.u32 $0xFF, v20;
	v42 =	vshrl.u32 v30, $0x10  }
0x80: {  	v25 =	vand.u32 $0xFF, v25;
	v9 =	vshrl.u32 v22, $0x18;
	v22 =	vand.u32 $0xFF, v15  }
0x81: {  	v45 =	vshrl.u32 v15, $0x8;
	v9 =	vpack.c.b32.b16 v31, v9;
	v31 =	vand.u32 $0xFF, v41  }
0x82: {  	v39 =	vand.u32 $0xFF, v39;
	v41 =	vshrl.u32 v26, $0x18;
	v23 =	vpack.c.b32.b16 v23, v31  }
0x83: {  	v18 =	vand.u32 $0xFF, v18;
	v39 =	vpack.c.b32.b16 v39, v43;
	v31 =	vshrl.u32 v15, $0x10  }
0x84: {  	v46 =	vshrl.u32 v24, $0x10;
	v45 =	vand.u32 $0xFF, v45;
	v43 =	vshrl.u32 v32, $0x10  }
0x85: {  	v49 =	vand.u32 $0xFF, v10;
	v47 =	vshrl.u32 v26, $0x8;
	v48 =	vshrl.u32 v32, $0x8  }
0x86: {  	v47 =	vand.u32 $0xFF, v47;
	v50 =	vshrl.u32 v30, $0x18;
	v48 =	vand.u32 $0xFF, v48  }
0x87: {  	v51 =	vand.u32 $0xFF, v21;
	v24 =	vshrl.u32 v24, $0x8;
	v37 =	vpack.c.b32.b16 v50, v37  }
0x88: {  	v24 =	vand.u32 $0xFF, v24;
	v44 =	vpack.c.b32.b16 v49, v44;
	v50 =	vshrl.u32 v21, $0x10  }
0x89: {  	v25 =	vpack.c.b32.b16 v25, v28;
	v52 =	vshrl.u32 v20, $0x10;
	v49 =	vand.u32 $0xFF, v32  }
0x8a: {  	v28 =	vand.u32 $0xFF, v36;
	v36 =	vand.u32 $0xFF, v46;
	v27 =	vpack.c.b16.b8 v27, v44  }
0x8b: {  	v21 =	vshrl.u32 v21, $0x8;
	v44 =	vshrl.u32 v30, $0x8;
	v23 =	vpack.c.b16.b8 v25, v23  }
0x8c: {  	v26 =	vand.u32 $0xFF, v26;
	v25 =	vand.u32 $0xFF, v30;
	v30 =	vand.u32 $0xFF, v31;
	[tilespmem:s20+$0xFFFFF7ED ss:$0x81] =	vst.msk $0xffff, v27  }
0x8d: {  	v22 =	vpack.c.b32.b16 v40, v22;
	v31 =	vand.u32 $0xFF, v44;
	v27 =	vand.u32 $0xFF, v42;
	[tilespmem:s20+$0xFFFFF7EE ss:$0x81] =	vst.msk $0xffff, v23  }
0x8e: {  	v28 =	vpack.c.b32.b16 v28, v35;
	v24 =	vpack.c.b32.b16 v24, v45;
	v23 =	vpack.c.b32.b16 v18, v33  }
0x8f: {  	v21 =	vand.u32 $0xFF, v21;
	v26 =	vpack.c.b32.b16 v49, v26;
	v18 =	vpack.c.b32.b16 v48, v47  }
0x90: {  	v25 =	vpack.c.b32.b16 v25, v51;
	v22 =	vpack.c.b16.b8 v22, v23;
	v23 =	vpack.c.b16.b8 v24, v28  }
0x91: {  	v21 =	vpack.c.b32.b16 v31, v21;
	v24 =	vand.u32 $0xFF, v38;
	v28 =	vshrl.u32 v32, $0x18  }
0x92: {  	v25 =	vpack.c.b16.b8 v26, v25;
	[tilespmem:s20+$0xFFFFEFDD ss:$0x81] =	vst.msk $0xffff, v22;
	v22 =	vshrl.u32 v11, $0x8;
	v11 =	vand.u32 $0xFF, v11  }
0x93: {  	v31 =	vand.u32 $0xFF, v43;
	v26 =	vand.u32 $0xFF, v50;
	[tilespmem:s20+$0xFFFFEFDE ss:$0x81] =	vst.msk $0xffff, v23;
	v22 =	vand.u32 $0xFF, v22  }
0x94: {  	v24 =	vpack.c.b32.b16 v31, v24;
	v23 =	vpack.c.b32.b16 v27, v26;
	[tilespmem:s20+$0xFFFFE7CD ss:$0x81] =	vst.msk $0xffff, v25;
	v25 =	vpack.c.b32.b16 v11, v29  }
0x95: {  	v26 =	vpack.c.b32.b16 v28, v41;
	v11 =	vand.u32 $0xFF, v52;
	v22 =	vpack.c.b32.b16 v22, v16  }
.Ltmp3:
0x96: {  	v16 =	vpack.c.b16.b8 v24, v23;
	v23 =	vpack.c.b32.b16 v36, v30;
	v24 =	vpack.c.b16.b8 v19, v25;
	(pc) =	sbr.rel @p1 .LBB1_3-.Ltmp3, $4  }
0x97: {  	v19 =	vpack.c.b16.b8 v26, v37;
	v25 =	vshrl.u32 v20, $0x18;
	v20 =	vpack.c.b16.b8 v13, v22  }
0x98: {  	v22 =	vshrl.u32 v15, $0x18;
	v15 =	vpack.c.b16.b8 v23, v39;
	v13 =	vpack.c.b32.b16 v14, v25  }
0x99: {  	v14 =	vpack.c.b32.b16 v34, v22;
	v23 =	vshrl.u32 v5, $0x10;
	v25 =	vand.u32 $0xFF, v17;
	[tilespmem:s20+$0xFFFFFFFD ss:$0x81] =	vst.msk $0xffff, v24  }
0x9a: {  	s18 =	sadd.s32 $0x200, s18;
	s19 =	sadd.s32 $0x400, s19;
	v22 =	vshrl.u32 v10, $0x10;
	v17 =	vand.u32 $0xFF, v23;
	v10 =	vpack.c.b32.b16 v25, v12  }
.Ltmp4:
0x9b: {  	_ = 	snop;
	(pc) =	sbr.rel .LBB1_4-.Ltmp4, $1  }
0x9c: {  	_ =	sdelay $0x3  }
.LBB1_6:
0x9d: {  	_ =	sfence.sel $0x180000  }
0x9e: {  	s2 =	simm.s32 $0x1;
	[bflag:$0x0] =	sbarrier.arrive $0xFFFF  }
0x9f: {  	s31 =	simm.s32 $0x2;
	[sflag:s2] =	ssyncpa.u1 $0x1  }
0xa0: {  	[sflag:s31] =	ssyncpa.u1 $0x1  }
0xa1: {  	p0 =	sne.s32 s0, $0x0;
	_ =	strace $0x90000047  }
0xa2: {  	s0 =	sadd.s32 @!p0 $0x100000, s1;
	[bflag:$0x2] =	sbarrier.arrive $0xFFFF  }
0xa3: {  	[sflag:s0] =	ssyncadd.tile.s32 @!p0 $0x1;
	_ =	shalt  }
.Lfunc_end1:
_tile_overlayer_lowered:
.L_overlay_start_2:
0xa4: {  	(tag) =	ssettag $0x2  }
0xa5: {  	s0 =	rddreg [dreg:$0x0];
	s2 =	stileid.u32  }
0xa6: {  	s1 =	rddreg [dreg:$0x1];
	p0 =	sne.s32 s2, $0x0  }
0xa7: {  	s3 =	rddreg [dreg:$0x2];
	[bflag:$0x3] =	sbarrier.arrive $0xFFFF;
	s2 =	simm.s32 @!p0 $0x1C01  }
0xa8: {  	[timem:s3], [sflag:s2] =	dma.local @!p0 [hbm:s0], s1  }
0xa9: {  	s0 =	simm.s32 @!p0 $0x1  }
0xaa: {  	_ =	swait.ge @!p0 [sflag:s0], s1  }
0xab: {  	s1 =	ssub.s32 @!p0 $0x0, s1;
	[sflag:s0] =	ssyncset.done @!p0 $0x0  }
0xac: {  	[sflag:s0] =	ssyncadd.s32 @!p0 s1  }
0xad: {  	[bflag:$0x3] =	sbarrier.arrive $0xFFFF  }
0xae: {  	_ =	shalt  }

</sc_bundles>
